<compile_context>
chip_gen: v7x
topology: tpu7x:2x2x1
jax: 0.10.2.dev20260603
libtpu: 0.0.44.dev20260713+nightly
codegen_flags: <defaults>
</compile_context>

<pallas_src>
import numpy as np

import jax
import jax.numpy as jnp
from jax.experimental import pallas as pl
from jax.experimental.pallas import tpu as pltpu

_H = _W = 512
_NPIX = _H * _W
_R0 = 4
_NRV = 252
_NR = 256
_CHUNK = 8192
_NSTEPS = _NPIX // _CHUNK
_B = 128


def _counts_const() -> np.ndarray:
    cy, cx = _H // 2, _W // 2
    yy, xx = np.meshgrid(np.arange(_H), np.arange(_W), indexing="ij")
    coords = np.stack([yy, xx], -1).astype(np.float32)
    coords[..., 0] -= cy
    coords[..., 1] -= cx
    rad = np.sqrt((coords ** 2).sum(-1))
    bins = np.asarray(np.round(rad).reshape(-1), dtype=np.int64)
    counts = np.bincount(bins, minlength=_R0 + _NR)
    out = np.ones((1, _NR), dtype=np.float32)
    out[0, :_NRV] = counts[_R0:_R0 + _NRV].astype(np.float32)
    return out


_COUNTS = _counts_const()


def _body(parts_ref, projs_ref, bins_ref, counts_ref, out_ref, s1_ref, sq_ref):
    c = pl.program_id(0)

    noise = parts_ref[...] - projs_ref[...]
    a16 = jnp.abs(noise).astype(jnp.bfloat16)
    q16 = (noise * noise).astype(jnp.bfloat16)

    bins = bins_ref[0]
    iota = jax.lax.broadcasted_iota(jnp.int32, (_NR, _CHUNK), 0)
    onehot_t = jnp.where(bins - _R0 == iota, 1.0, 0.0).astype(jnp.bfloat16)

    dn = (((1,), (1,)), ((), ()))
    ps1 = jax.lax.dot_general(a16, onehot_t, dn,
                              preferred_element_type=jnp.float32)
    psq = jax.lax.dot_general(q16, onehot_t, dn,
                              preferred_element_type=jnp.float32)

    @pl.when(c == 0)
    def _init():
        s1_ref[...] = ps1
        sq_ref[...] = psq

    @pl.when(c > 0)
    def _acc():
        s1_ref[...] += ps1
        sq_ref[...] += psq

    @pl.when(c == _NSTEPS - 1)
    def _finalize():
        counts = counts_ref[...]
        s1 = s1_ref[...]
        qs = sq_ref[...]
        s2 = qs - s1 * s1 / counts
        var = s2 / jnp.maximum(counts - 1.0, 1.0)
        col = jax.lax.broadcasted_iota(jnp.int32, (_B, _NR), 1)
        valid = col < _NRV
        var_safe = jnp.where(valid, var, 1.0)
        term = -0.5 * qs / var_safe - counts * jnp.log(2.0 * jnp.pi * var_safe)
        term = jnp.where(valid, term, 0.0)
        out_ref[...] = jnp.sum(term, axis=1, keepdims=True)


def kernel(parts, projs, distance_bins, valid_bins_mask):
    del valid_bins_mask
    B = parts.shape[0]
    parts2d = parts.reshape(B, _NPIX)
    projs2d = projs.reshape(B, _NPIX)
    bins3d = distance_bins.astype(jnp.int32).reshape(_NSTEPS, 1, _CHUNK)
    countsf = jnp.asarray(_COUNTS)

    return pl.pallas_call(
        _body,
        grid=(_NSTEPS,),
        in_specs=[
            pl.BlockSpec((B, _CHUNK), lambda c: (0, c)),
            pl.BlockSpec((B, _CHUNK), lambda c: (0, c)),
            pl.BlockSpec((1, 1, _CHUNK), lambda c: (c, 0, 0)),
            pl.BlockSpec((1, _NR), lambda c: (0, 0)),
        ],
        out_specs=pl.BlockSpec((B, 1), lambda c: (0, 0)),
        out_shape=jax.ShapeDtypeStruct((B, 1), jnp.float32),
        scratch_shapes=[
            pltpu.VMEM((_B, _NR), jnp.float32),
            pltpu.VMEM((_B, _NR), jnp.float32),
        ],
    )(parts2d, projs2d, bins3d, countsf)

# --- scband reference (transcript-rebuilt; emitter-appended) ---
"""Pipeline reference for scband-relion-prob-37752762532603 (READ-ONLY COPY).

The authoritative reference and input builder live on the scoring server;
editing this copy changes nothing except your own understanding.
"""

import jax, jax.numpy as jnp
import numpy as np

IMAGE_SHAPE = (512, 512)
NUM_RINGS = 256
BATCH = 128


def _make_bins():
    H, W = IMAGE_SHAPE
    cy, cx = H // 2, W // 2
    yy, xx = np.meshgrid(np.arange(H), np.arange(W), indexing='ij')
    coords = np.stack([yy, xx], -1).astype(np.float32)
    coords[..., 0] -= cy
    coords[..., 1] -= cx
    rad = np.sqrt((coords ** 2).sum(-1))
    bins = np.asarray(np.round(rad).reshape(-1), dtype=np.int64)
    mask = (bins > 3) & (bins < NUM_RINGS)
    return jnp.asarray(bins), jnp.asarray(mask)


def setup_inputs(seed: int = 0):
    key = jax.random.key(seed)
    k1, k2 = jax.random.split(key)
    parts = jax.random.normal(k1, (BATCH,) + IMAGE_SHAPE, dtype=jnp.float32)
    projs = jax.random.normal(k2, (BATCH,) + IMAGE_SHAPE, dtype=jnp.float32)
    distance_bins, valid_bins_mask = _make_bins()
    return {"parts": parts, "projs": projs, "distance_bins": distance_bins, "valid_bins_mask": valid_bins_mask}


def _static_num_bins():
    H, W = IMAGE_SHAPE
    cy, cx = H // 2, W // 2
    yy, xx = np.meshgrid(np.arange(H), np.arange(W), indexing='ij')
    coords = np.stack([yy, xx], -1).astype(np.float32)
    coords[..., 0] -= cy
    coords[..., 1] -= cx
    rad = np.sqrt((coords ** 2).sum(-1))
    return int(np.round(rad).max()) + 1


def reference(parts, projs, distance_bins, valid_bins_mask):
    B = parts.shape[0]
    noise = (parts - projs).reshape(B, -1)
    num_bins = _static_num_bins()

    ones = jnp.ones((noise.shape[1],), dtype=noise.dtype)
    counts = jax.ops.segment_sum(ones, distance_bins, num_segments=num_bins)

    def seg(v):
        return jax.ops.segment_sum(v, distance_bins, num_segments=num_bins)

    abs_noise = jnp.abs(noise)
    # scatter_mean equivalent (count clamped to 1)
    s1 = jax.vmap(seg)(abs_noise)
    mean = s1 / jnp.maximum(counts, 1.0)
    # scatter_std equivalent (unbiased, count-1 clamped to 1), then squared -> variance
    sq_dev = (abs_noise - mean[:, distance_bins]) ** 2
    s2 = jax.vmap(seg)(sq_dev)
    denom = jnp.maximum(counts - 1.0, 1.0)
    radial_std = jnp.sqrt(s2 / denom)
    radial_var = radial_std ** 2

    flat_var = radial_var[:, distance_bins]
    exp_term = -0.5 * (jnp.abs(jnp.square(noise)) / flat_var)
    logprob = exp_term - jnp.log(2.0 * jnp.pi * flat_var)
    logprob = jnp.where(valid_bins_mask[None, :], logprob, 0.0)
    return logprob.sum(-1, keepdims=True)

if __name__ == "__main__":
    import jax
    _d = setup_inputs()
    print(jax.jit(kernel)(*tuple(_d.values())))

</pallas_src>

<mosaic_0001>
module attributes {stable_mosaic.version = 14 : i64} {
  func.func @_body(%arg0: i32, %arg1: memref<128x8192xf32, #tpu.memory_space<vmem>>, %arg2: memref<128x8192xf32, #tpu.memory_space<vmem>>, %arg3: memref<1x1x8192xi32, #tpu.memory_space<vmem>>, %arg4: memref<1x256xf32, #tpu.memory_space<vmem>>, %arg5: memref<128x1xf32, #tpu.memory_space<vmem>>, %arg6: memref<128x256xf32, #tpu.memory_space<vmem>>, %arg7: memref<128x256xf32, #tpu.memory_space<vmem>>) attributes {dimension_semantics = [#tpu.dimension_semantics<arbitrary>], iteration_bounds = array<i64: 32>, scalar_prefetch = 0 : i64, scratch_operands = 2 : i64, tpu.core_type = #tpu.core_type<tc>, window_params = [{transform_indices = @transform_0, window_bounds = array<i64: 128, 8192>}, {transform_indices = @transform_1, window_bounds = array<i64: 128, 8192>}, {transform_indices = @transform_2, window_bounds = array<i64: 1, 1, 8192>}, {pipeline_mode = #tpu.pipeline_mode<synchronous>, transform_indices = @transform_3, window_bounds = array<i64: 1, 256>}, {pipeline_mode = #tpu.pipeline_mode<synchronous>, transform_indices = @transform_4, window_bounds = array<i64: 128, 1>}]} {
    %get3A = arith.constant 0 : index
    %get3A_0 = arith.constant 0 : index
    %get3A_1 = vector.load %arg1[%get3A, %get3A_0] : memref<128x8192xf32, #tpu.memory_space<vmem>>, vector<128x8192xf32>
    %get3A_2 = arith.constant 0 : index
    %get3A_3 = arith.constant 0 : index
    %get3A_4 = vector.load %arg2[%get3A_2, %get3A_3] : memref<128x8192xf32, #tpu.memory_space<vmem>>, vector<128x8192xf32>
    %sub3A = arith.subf %get3A_1, %get3A_4 : vector<128x8192xf32>
    %abs3A = math.absf %sub3A : vector<128x8192xf32>
    %convert_element_type3A = arith.truncf %abs3A : vector<128x8192xf32> to vector<128x8192xbf16>
    %mul3A = arith.mulf %sub3A, %sub3A : vector<128x8192xf32>
    %convert_element_type3A_5 = arith.truncf %mul3A : vector<128x8192xf32> to vector<128x8192xbf16>
    %get3A_6 = arith.constant 0 : index
    %get3A_7 = arith.constant 0 : index
    %get3A_8 = arith.constant 0 : index
    %get3A_9 = vector.load %arg3[%get3A_6, %get3A_7, %get3A_8] : memref<1x1x8192xi32, #tpu.memory_space<vmem>>, vector<1x1x8192xi32>
    %get3A_10 = vector.shape_cast %get3A_9 : vector<1x1x8192xi32> to vector<1x8192xi32>
    %iota3A = tpu.iota {dimensions = array<i32: 0>} : vector<256x8192xi32>
    %sub3A_11 = arith.constant 4 : i32
    %sub3A_12 = vector.broadcast %sub3A_11 : i32 to vector<1x8192xi32>
    %sub3A_13 = arith.subi %get3A_10, %sub3A_12 : vector<1x8192xi32>
    %eq3A = vector.broadcast %sub3A_13 : vector<1x8192xi32> to vector<256x8192xi32>
    %eq3A_14 = arith.cmpi eq, %eq3A, %iota3A : vector<256x8192xi32>
    %jit3A = arith.constant 1.000000e+00 : f32
    %jit3A_15 = arith.constant 0.000000e+00 : f32
    %broadcast_in_dim3A = vector.broadcast %jit3A : f32 to vector<256x8192xf32>
    %broadcast_in_dim3A_16 = vector.broadcast %jit3A_15 : f32 to vector<256x8192xf32>
    %select_n3A = arith.select %eq3A_14, %broadcast_in_dim3A, %broadcast_in_dim3A_16 : vector<256x8192xi1>, vector<256x8192xf32>
    %convert_element_type3A_17 = arith.truncf %select_n3A : vector<256x8192xf32> to vector<256x8192xbf16>
    %dot_general3A = arith.constant dense<0.000000e+00> : vector<128x256xf32>
    %dot_general3A_18 = tpu.matmul %convert_element_type3A, %convert_element_type3A_17, %dot_general3A {dimension_numbers = #tpu.dot_dimension_numbers<[1], [1], [0], [0], [0, 0, 1, 0], [], []>, transpose_lhs_hint = false} : vector<128x8192xbf16>, vector<256x8192xbf16>, vector<128x256xf32> -> vector<128x256xf32>
    %dot_general3A_19 = arith.constant dense<0.000000e+00> : vector<128x256xf32>
    %dot_general3A_20 = tpu.matmul %convert_element_type3A_5, %convert_element_type3A_17, %dot_general3A_19 {dimension_numbers = #tpu.dot_dimension_numbers<[1], [1], [0], [0], [0, 0, 1, 0], [], []>, transpose_lhs_hint = false} : vector<128x8192xbf16>, vector<256x8192xbf16>, vector<128x256xf32> -> vector<128x256xf32>
    %eq3A_21 = arith.constant 0 : i32
    %eq3A_22 = arith.cmpi eq, %arg0, %eq3A_21 : i32
    %convert_element_type3A_23 = arith.extui %eq3A_22 : i1 to i32
    %cond3A = arith.constant 0 : i32
    %cond3A_24 = arith.cmpi ne, %convert_element_type3A_23, %cond3A : i32
    scf.if %cond3A_24 {
      %swap3A = arith.constant 0 : index
      %swap3A_34 = arith.constant 0 : index
      %swap3A_35 = vector.load %arg6[%swap3A, %swap3A_34] : memref<128x256xf32, #tpu.memory_space<vmem>>, vector<128x256xf32>
      tpu.vector_store %arg6[%swap3A, %swap3A_34], %dot_general3A_18 {strides = array<i32>} : memref<128x256xf32, #tpu.memory_space<vmem>>, vector<128x256xf32>,
      %swap3A_36 = arith.constant 0 : index
      %swap3A_37 = arith.constant 0 : index
      %swap3A_38 = vector.load %arg7[%swap3A_36, %swap3A_37] : memref<128x256xf32, #tpu.memory_space<vmem>>, vector<128x256xf32>
      tpu.vector_store %arg7[%swap3A_36, %swap3A_37], %dot_general3A_20 {strides = array<i32>} : memref<128x256xf32, #tpu.memory_space<vmem>>, vector<128x256xf32>,
    } else {
    }
    %gt3A = arith.constant 0 : i32
    %gt3A_25 = arith.cmpi sgt, %arg0, %gt3A : i32
    %convert_element_type3A_26 = arith.extui %gt3A_25 : i1 to i32
    %cond3A_27 = arith.constant 0 : i32
    %cond3A_28 = arith.cmpi ne, %convert_element_type3A_26, %cond3A_27 : i32
    scf.if %cond3A_28 {
      %get3A_34 = arith.constant 0 : index
      %get3A_35 = arith.constant 0 : index
      %get3A_36 = vector.load %arg6[%get3A_34, %get3A_35] : memref<128x256xf32, #tpu.memory_space<vmem>>, vector<128x256xf32>
      %add3A = arith.addf %get3A_36, %dot_general3A_18 : vector<128x256xf32>
      %swap3A = arith.constant 0 : index
      %swap3A_37 = arith.constant 0 : index
      %swap3A_38 = vector.load %arg6[%swap3A, %swap3A_37] : memref<128x256xf32, #tpu.memory_space<vmem>>, vector<128x256xf32>
      tpu.vector_store %arg6[%swap3A, %swap3A_37], %add3A {strides = array<i32>} : memref<128x256xf32, #tpu.memory_space<vmem>>, vector<128x256xf32>,
      %get3A_39 = arith.constant 0 : index
      %get3A_40 = arith.constant 0 : index
      %get3A_41 = vector.load %arg7[%get3A_39, %get3A_40] : memref<128x256xf32, #tpu.memory_space<vmem>>, vector<128x256xf32>
      %add3A_42 = arith.addf %get3A_41, %dot_general3A_20 : vector<128x256xf32>
      %swap3A_43 = arith.constant 0 : index
      %swap3A_44 = arith.constant 0 : index
      %swap3A_45 = vector.load %arg7[%swap3A_43, %swap3A_44] : memref<128x256xf32, #tpu.memory_space<vmem>>, vector<128x256xf32>
      tpu.vector_store %arg7[%swap3A_43, %swap3A_44], %add3A_42 {strides = array<i32>} : memref<128x256xf32, #tpu.memory_space<vmem>>, vector<128x256xf32>,
    } else {
    }
    %eq3A_29 = arith.constant 31 : i32
    %eq3A_30 = arith.cmpi eq, %arg0, %eq3A_29 : i32
    %convert_element_type3A_31 = arith.extui %eq3A_30 : i1 to i32
    %cond3A_32 = arith.constant 0 : i32
    %cond3A_33 = arith.cmpi ne, %convert_element_type3A_31, %cond3A_32 : i32
    scf.if %cond3A_33 {
      %get3A_34 = arith.constant 0 : index
      %get3A_35 = arith.constant 0 : index
      %get3A_36 = vector.load %arg4[%get3A_34, %get3A_35] : memref<1x256xf32, #tpu.memory_space<vmem>>, vector<1x256xf32>
      %get3A_37 = arith.constant 0 : index
      %get3A_38 = arith.constant 0 : index
      %get3A_39 = vector.load %arg6[%get3A_37, %get3A_38] : memref<128x256xf32, #tpu.memory_space<vmem>>, vector<128x256xf32>
      %get3A_40 = arith.constant 0 : index
      %get3A_41 = arith.constant 0 : index
      %get3A_42 = vector.load %arg7[%get3A_40, %get3A_41] : memref<128x256xf32, #tpu.memory_space<vmem>>, vector<128x256xf32>
      %mul3A_43 = arith.mulf %get3A_39, %get3A_39 : vector<128x256xf32>
      %div3A = vector.broadcast %get3A_36 : vector<1x256xf32> to vector<128x256xf32>
      %div3A_44 = arith.divf %mul3A_43, %div3A : vector<128x256xf32>
      %sub3A_45 = arith.subf %get3A_42, %div3A_44 : vector<128x256xf32>
      %sub3A_46 = arith.constant 1.000000e+00 : f32
      %sub3A_47 = vector.broadcast %sub3A_46 : f32 to vector<1x256xf32>
      %sub3A_48 = arith.subf %get3A_36, %sub3A_47 : vector<1x256xf32>
      %max3A = arith.constant 1.000000e+00 : f32
      %max3A_49 = vector.broadcast %max3A : f32 to vector<1x256xf32>
      %max3A_50 = arith.maximumf %sub3A_48, %max3A_49 : vector<1x256xf32>
      %div3A_51 = vector.broadcast %max3A_50 : vector<1x256xf32> to vector<128x256xf32>
      %div3A_52 = arith.divf %sub3A_45, %div3A_51 : vector<128x256xf32>
      %iota3A_53 = tpu.iota {dimensions = array<i32: 1>} : vector<128x256xi32>
      %lt3A = arith.constant 252 : i32
      %lt3A_54 = vector.broadcast %lt3A : i32 to vector<128x256xi32>
      %lt3A_55 = arith.cmpi slt, %iota3A_53, %lt3A_54 : vector<128x256xi32>
      %jit3A_56 = arith.constant 1.000000e+00 : f32
      %broadcast_in_dim3A_57 = vector.broadcast %jit3A_56 : f32 to vector<128x256xf32>
      %select_n3A_58 = arith.select %lt3A_55, %div3A_52, %broadcast_in_dim3A_57 : vector<128x256xi1>, vector<128x256xf32>
      %mul3A_59 = arith.constant -5.000000e-01 : f32
      %mul3A_60 = vector.broadcast %mul3A_59 : f32 to vector<128x256xf32>
      %mul3A_61 = arith.mulf %mul3A_60, %get3A_42 : vector<128x256xf32>
      %div3A_62 = arith.divf %mul3A_61, %select_n3A_58 : vector<128x256xf32>
      %mul3A_63 = arith.constant 6.28318548 : f32
      %mul3A_64 = vector.broadcast %mul3A_63 : f32 to vector<128x256xf32>
      %mul3A_65 = arith.mulf %mul3A_64, %select_n3A_58 : vector<128x256xf32>
      %log3A = math.log %mul3A_65 : vector<128x256xf32>
      %mul3A_66 = vector.broadcast %get3A_36 : vector<1x256xf32> to vector<128x256xf32>
      %mul3A_67 = arith.mulf %mul3A_66, %log3A : vector<128x256xf32>
      %sub3A_68 = arith.subf %div3A_62, %mul3A_67 : vector<128x256xf32>
      %jit3A_69 = arith.constant 0.000000e+00 : f32
      %broadcast_in_dim3A_70 = vector.broadcast %jit3A_69 : f32 to vector<128x256xf32>
      %select_n3A_71 = arith.select %lt3A_55, %sub3A_68, %broadcast_in_dim3A_70 : vector<128x256xi1>, vector<128x256xf32>
      %reduce_sum3A = arith.constant dense<0.000000e+00> : vector<128xf32>
      %reduce_sum3A_72 = vector.multi_reduction <add>, %select_n3A_71, %reduce_sum3A [1] : vector<128x256xf32> to vector<128xf32>
      %broadcast_in_dim3A_73 = vector.shape_cast %reduce_sum3A_72 : vector<128xf32> to vector<128x1xf32>
      %swap3A = arith.constant 0 : index
      %swap3A_74 = arith.constant 0 : index
      %swap3A_75 = vector.load %arg5[%swap3A, %swap3A_74] : memref<128x1xf32, #tpu.memory_space<vmem>>, vector<128x1xf32>
      tpu.vector_store %arg5[%swap3A, %swap3A_74], %broadcast_in_dim3A_73 {strides = array<i32>} : memref<128x1xf32, #tpu.memory_space<vmem>>, vector<128x1xf32>,
    } else {
    }
    return
  }
  func.func @transform_0(%arg0: i32) -> (i32, i32) {
    %c0_i32 = arith.constant 0 : i32
    %c0_i32_0 = arith.constant 0 : i32
    return %c0_i32, %arg0 : i32, i32
  }
  func.func @transform_1(%arg0: i32) -> (i32, i32) {
    %c0_i32 = arith.constant 0 : i32
    %c0_i32_0 = arith.constant 0 : i32
    return %c0_i32, %arg0 : i32, i32
  }
  func.func @transform_2(%arg0: i32) -> (i32, i32, i32) {
    %c0_i32 = arith.constant 0 : i32
    %c0_i32_0 = arith.constant 0 : i32
    %c0_i32_1 = arith.constant 0 : i32
    return %arg0, %c0_i32, %c0_i32_0 : i32, i32, i32
  }
  func.func @transform_3(%arg0: i32) -> (i32, i32) {
    %c0_i32 = arith.constant 0 : i32
    %c0_i32_0 = arith.constant 0 : i32
    %c0_i32_1 = arith.constant 0 : i32
    return %c0_i32, %c0_i32_0 : i32, i32
  }
  func.func @transform_4(%arg0: i32) -> (i32, i32) {
    %c0_i32 = arith.constant 0 : i32
    %c0_i32_0 = arith.constant 0 : i32
    %c0_i32_1 = arith.constant 0 : i32
    return %c0_i32, %c0_i32_0 : i32, i32
  }
}

</mosaic_0001>

<sc_bundles>
// kernel: sparse-core-data-format-call.1.cloned.1.call-start
scs
called_computation.1_lowered:
.L_overlay_start_0:
0x0: {  	s2 =	sld [smem:$0x3FD9]  }
0x1: {  	s3 =	sld [smem:$0x3FFE];
	_ =	sdelay $0x1  }
0x2: {  	s1 =	srdreg.scid  }
0x3: {  	s0 =	sand.u32 $0x1, s1  }
0x4: {  	s18 =	sshll.u32 s0, $0xA;
	s2 =	sadd.s32 s3, s2  }
0x5: {  	s2 =	sadd.s32 s2, s18  }
0x6: {  	[smem:$0x3FC5] =	sst s2  }
0x7: {  	_ = 	snop  }
0x8: {  	s2 =	sld [smem:$0x3FC9];
	(tm) =	ssettm $0x1  }
0x9: {  	s19 =	sld [smem:$0x3FFB];
	_ =	sdelay $0x3  }
0xa: {  	_ =	strace s19  }
0xb: {  	s3 =	sld [smem:$0x3FFC];
	_ =	sdelay $0x3  }
0xc: {  	_ =	strace s3  }
0xd: {  	s3 =	sld [smem:$0x3FFD];
	_ =	sdelay $0x3  }
0xe: {  	_ =	strace s3  }
0xf: {  	_ =	strace $0x8FFFFFFF  }
0x10: {  	s20 =	sld [smem:$0x3FDB];
	_ =	sdelay $0x1  }
0x11: {  	s4 =	simm.s32 $_scs_section_size  }
0x12: {  	s5 =	simm.s32 $_size__tile_overlayer_lowered;
	s6 =	simm.s32 $_tile_overlayer_lowered  }
0x13: {  	s23 =	simm.s32 $0x1BFF;
	s22 =	sshll.u32 s6, $0x1;
	s3 =	sadd.s32 s4, s20  }
0x14: {  	s7 =	simm.s32 $0x0;
	s21 =	sshll.u32 s5, $0x1;
	s5 =	sadd.s32 s22, s3  }
0x15: {  	[timem:s7], [sflag:s23] =	dma.local [hbm:s5], s21  }
0x16: {  	_ =	swait.ge [sflag:s23], s21  }
0x17: {  	s4 =	ssub.s32 $0x0, s21;
	[sflag:s23] =	ssyncset.done $0x0  }
0x18: {  	[sflag:s23] =	ssyncadd.s32 s4;
	_ =	sdelay $0x1  }
0x19: {  	s24 =	simm.s32 $0x1B8B  }
0x1a: {  	_ =	swait.ge [sflag:s24], $0x1  }
0x1b: {  	[sflag:s24] =	ssyncset.done $0x0  }
0x1c: {  	s26 =	simm.s32 $0x1B8E;
	s25 =	sld [smem:$0x3FFE];
	[sflag:s24] =	ssyncadd.s32 $0xFFFFFFFF  }
0x1d: {  	s27 =	simm.s32 $execute0_lowered;
	[smem:$0x3FD2] =	sst s26  }
0x1e: {  	s5 =	sshll.u32 s27, $0x1;
	_ =	strace $0x80000046;
	[dreg:$0x1] =	wrdreg $0xFFFFFFFF  }
0x1f: {  	s28 =	simm.s32 $_size_execute0_lowered;
	s3 =	sadd.s32 s3, s5;
	[dreg:$0x0] =	wrdreg $0x0  }
0x20: {  	s5 =	sshll.u32 s28, $0x1;
	[dreg:$0x2] =	wrdreg s3  }
0x21: {  	[dreg:$0x3] =	wrdreg s5  }
0x22: {  	[dreg:$0x4] =	wrdreg $0xC0  }
0x23: {  	_ =	task [dreg:s7], $0x5FFFF  }
0x24: {  	[dreg:$0x1] =	wrdreg $0xFFFFFFFF  }
0x25: {  	[dreg:$0x0] =	wrdreg $0x60  }
0x26: {  	[dreg:$0x2] =	wrdreg s2  }
0x27: {  	[dreg:$0x3] =	wrdreg s25  }
0x28: {  	[dreg:$0x4] =	wrdreg $0xA  }
0x29: {  	_ =	task.clear_ibuf [dreg:s7], $0x5FFFF;
	_ =	strace $0x90000046  }
0x2a: {  	s29 =	simm.s32 $0xA;
	_ =	strace $0x80000048  }
0x2b: {  	_ =	swait.ge [sflag:s29], $0x1  }
0x2c: {  	[sflag:s29] =	ssyncadd.s32 $0xFFFFFFFF  }
0x2d: {  	_ =	strace $0x90000048  }
0x2e: {  	_ =	sfence  }
0x2f: {  	s30 =	sld [smem:$0x0];
	_ =	sdelay $0x2  }
0x30: {  	s31 =	sshll.u32 s1, $0xD;
	s1 =	sshrl.u32 s1, $0x2  }
0x31: {  	s3 =	sand.u32 $0x4000, s31;
	s1 =	sadd.s32 s1, s30  }
0x32: {  	s0 =	sor.u32 s3, s0;
	s1 =	sshll.u32 s1, $0x11  }
0x33: {  	s0 =	sor.u32 s1, s0  }
0x34: {  	s0 =	sadd.s32 $0x8F2B, s0  }
0x35: {  	[sflag:s0] =	ssyncadd.remote.s32 $0x1  }
0x36: {  	_ =	sfence.sel $0xFFFF  }
0x37: {  	[dreg:$0x0] =	wrdreg $0xFFFFFFFF;
	(pc) =	sbr.abs _section_cstart, $3  }
0x38: {  	[dreg:$0x1] =	wrdreg $0xFFFFFFFF  }
0x39: {  	_ =	task.clear_ibuf [dreg:s7], $0x2FFFF;
	_ =	strace $0x9FFFFFFF  }
0x3a: {  	(tm) =	ssettm $0x7FFFFFFF  }
0x3b: {  	_ =	shalt  }
tec
execute0_lowered:
.L_overlay_start_1:
0x0: {  	(tag) =	ssettag $0x1  }
0x1: {  	s2 =	rddreg [dreg:$0x0]  }
0x2: {  	s1 =	rddreg [dreg:$0x1]  }
0x3: {  	s3 =	srdreg.scid;
	s0 =	rddreg [dreg:$0x2]  }
0x4: {  	_ =	strace $0x80000047;
	s5 =	simm.s32 $0x1;
	s8 =	simm.s32 $0x2  }
0x5: {  	s14 =	simm.s32 $0x0;
	p0 =	por $0x0, $0x0;
	s15 =	simm.s32 $0x0  }
0x6: {  	s17 =	simm.s32 $0x0;
	s16 =	simm.s32 $0x0;
	s10 =	simm.s32 $0x0  }
0x7: {  	s11 =	simm.s32 $0x0;
	s13 =	stileid.u32;
	s3 =	sand.u32 $0x1, s3  }
.Ltmp0:
0x8: {  	s4 =	sadd.s32 $0xC00, s1;
	s6 =	ssub.s32 $0x8, s3;
	(pc) =	sbr.rel .LBB1_1-.Ltmp0, $4  }
0x9: {  	s1 =	stileid.u32;
	[sflag:s5] =	ssyncpa.u1 $0x0;
	s7 =	sshrl.u32 s6, $0x1  }
0xa: {  	[sflag:s8] =	ssyncpa.u1 $0x0;
	s8 =	simm.s32 $0x1000;
	s9 =	sadd.s32 s3, s7  }
0xb: {  	s12 =	smov.u32 s3;
	s6 =	ssub.s32 s6, s7;
	s31 =	sshll.u32 s9, $0x4  }
0xc: {  	s6 =	sshll.u32 s6, $0x4;
	s9 =	simm.s32 $0x0;
	s7 =	ssub.s32 $0x82, s31  }
.LBB1_4:
0xd: {  	_ =	sdelay $0x3  }
0xe: {  	[tilespmem:v0+s20+$0xFFFFFFA0 ss:$0x1] =	vst.idx.msk $0xffff, v6  }
0xf: {  	v56 =	vld.idx.msk [tilespmem:v1+s19+$0x30 ss:$0x1], $0xffff;
	[tilespmem:v0+s20+$0xFFFFFFB0 ss:$0x1] =	vst.idx.msk $0xffff, v4  }
0x10: {  	v57 =	vld.idx.msk [tilespmem:v1+s19+$0xFFFFFFC0 ss:$0x1], $0xffff;
	[tilespmem:v0+s20+$0xFFFFFFC0 ss:$0x1] =	vst.idx.msk $0xffff, v2  }
0x11: {  	v58 =	vld.idx.msk [tilespmem:v1+s19+$0xFFFFFFD0 ss:$0x1], $0xffff;
	[tilespmem:v0+s20+$0xFFFFFFD0 ss:$0x1] =	vst.idx.msk $0xffff, v3  }
0x12: {  	v59 =	vld.idx.msk [tilespmem:v1+s19+$0xFFFFFFE0 ss:$0x1], $0xffff;
	[tilespmem:v0+s20+$0xFFFFFFE0 ss:$0x1] =	vst.idx.msk $0xffff, v5  }
0x13: {  	v60 =	vld.idx.msk [tilespmem:v1+s19+$0xFFFFFFF0 ss:$0x1], $0xffff;
	[tilespmem:v0+s20+$0xFFFFFFF0 ss:$0x1] =	vst.idx.msk $0xffff, v7  }
0x14: {  	v61 =	vld.idx.msk [tilespmem:v1+s19+$0x0 ss:$0x1], $0xffff;
	[tilespmem:v0+s19+$0x0 ss:$0x1] =	vst.idx.msk $0xffff, v56  }
0x15: {  	v62 =	vld.idx.msk [tilespmem:v1+s19+$0x10 ss:$0x1], $0xffff;
	[tilespmem:v0+s19+$0xFFFFFF90 ss:$0x1] =	vst.idx.msk $0xffff, v57  }
0x16: {  	s17 =	sshll.u32 s17, $0x7;
	v63 =	vld.idx.msk [tilespmem:v1+s19+$0x20 ss:$0x1], $0xffff;
	s29 =	sand.u32 $0x78, s14;
	[tilespmem:v0+s19+$0xFFFFFFA0 ss:$0x1] =	vst.idx.msk $0xffff, v58  }
0x17: {  	s30 =	sshll.u32 s14, $0x3;
	s16 =	sshll.u32 s16, $0x12;
	s17 =	sand.u32 $0x380, s17;
	[tilespmem:v0+s19+$0xFFFFFFB0 ss:$0x1] =	vst.idx.msk $0xffff, v59  }
0x18: {  	s15 =	sshll.u32 s15, $0x9;
	s20 =	sand.u32 $0xC00, s30;
	s17 =	sor.u32 s29, s17;
	[tilespmem:v0+s19+$0xFFFFFFC0 ss:$0x1] =	vst.idx.msk $0xffff, v60  }
0x19: {  	s31 =	sand.u32 $0x7, s14;
	s16 =	sadd.s32 s4, s16;
	s17 =	sor.u32 s20, s17;
	[tilespmem:v0+s19+$0xFFFFFFD0 ss:$0x1] =	vst.idx.msk $0xffff, v61  }
0x1a: {  	s14 =	sshll.u32 s31, $0x12;
	s15 =	sadd.s32 s15, s16;
	s17 =	sshrl.u32 s17, $0x3;
	[tilespmem:v0+s19+$0xFFFFFFE0 ss:$0x1] =	vst.idx.msk $0xffff, v62  }
0x1b: {  	s14 =	sor.u32 $0x80, s14;
	[tilespmem:v0+s19+$0xFFFFFFF0 ss:$0x1] =	vst.idx.msk $0xffff, v63;
	s15 =	sadd.s32 s17, s15  }
0x1c: {  	[hbm4b:s15+s14] =	stream.strided.scatter [tilespmem:s18], [sflag:$0x2], $0x4000, s8, s14, $0x38;
	[tilespmem:$0x10000] =	vst v63  }
.LBB1_5:
0x1d: {  	s18 =	sadd.s32 $0x80, s10  }
0x1e: {  	s14 =	sadd.s32 $0x80, s11;
	s19 =	smov.u32 s11;
	p2 =	sgt.s32 s18, $0x1FF  }
0x1f: {  	s19 =	smov.u32 @p2 s14  }
0x20: {  	s20 =	smov.u32 s12;
	s14 =	sadd.s32 $0x2, s12;
	p3 =	sgt.s32 s19, $0x1FF  }
0x21: {  	s20 =	smov.u32 @p3 s14  }
0x22: {  	s21 =	smov.u32 s13;
	s14 =	sadd.s32 $0x10, s13;
	p4 =	sgt.s32 s20, $0x7  }
0x23: {  	p1 =	slt.u32 s9, $0x2;
	s21 =	smov.u32 @p4 s14  }
0x24: {  	s9 =	sadd.s32 $0x1, s9;
	s18 =	simm.s32 @p2 $0x0;
	p2 =	sgt.s32 s21, $0xF  }
0x25: {  	s22 =	simm.s32 @!p1 $0x2;
	s21 =	smov.u32 @p2 s1;
	p2 =	sne.s32 s9, s7  }
.Ltmp1:
0x26: {  	s15 =	smov.u32 s11;
	_ =	swait.ge @!p1 [sflag:s22], $0x4000;
	(pc) =	sbr.rel @!p2 .LBB1_6-.Ltmp1, $4  }
0x27: {  	s17 =	smov.u32 s12;
	s16 =	smov.u32 s13;
	[sflag:s22] =	ssyncset.done @!p1 $0x0  }
0x28: {  	p0 =	por !p0, !p0;
	s19 =	simm.s32 @p3 $0x0;
	[sflag:s22] =	ssyncadd.s32 @!p1 $0xFFFFC000  }
0x29: {  	s11 =	smov.u32 s19;
	s20 =	smov.u32 @p4 s3;
	s14 =	smov.u32 s10  }
0x2a: {  	s10 =	smov.u32 s18;
	s12 =	smov.u32 s20;
	s13 =	smov.u32 s21  }
.LBB1_1:
0x2b: {  	p1 =	sge.u32 s9, s6;
	s31 =	sadd.s32 $0xFFFFFFFF, s9  }
0x2c: {  	s18 =	sxor.u32 @!p1 $0xFFFFFFFF, s9;
	s19 =	sand.u32 @!p1 $0x78, s10;
	s20 =	sshll.u32 @!p1 s11, $0x9  }
0x2d: {  	s21 =	sshll.u32 @!p1 s10, $0x3;
	s22 =	sshll.u32 @!p1 s11, $0x7;
	s18 =	sshll.u32 @!p1 s18, $0xE  }
0x2e: {  	s20 =	sand.u32 @!p1 $0x3F000, s20;
	s21 =	sand.u32 @!p1 $0x3FC00, s21;
	s18 =	sand.u32 @!p1 $0x4000, s18  }
0x2f: {  	s20 =	sadd.s32 @!p1 s20, s21;
	s21 =	sand.u32 @!p1 $0x200, s22;
	s22 =	sand.u32 @!p1 $0x180, s22  }
0x30: {  	s20 =	sor.u32 @!p1 s21, s20;
	s19 =	sor.u32 @!p1 s19, s22;
	s21 =	sshll.u32 @!p1 s13, $0x12  }
0x31: {  	s22 =	sshll.u32 @!p1 s12, $0xF;
	s20 =	sshrl.u32 @!p1 s20, $0x3;
	s21 =	sadd.s32 @!p1 s2, s21  }
0x32: {  	s19 =	sshrl.u32 @!p1 s19, $0x3;
	s21 =	sadd.s32 @!p1 s22, s21;
	s22 =	sand.u32 @!p1 $0x7, s10  }
0x33: {  	s20 =	sand.u32 @!p1 $0x7FC0, s20;
	s19 =	sadd.s32 @!p1 s19, s21;
	s21 =	sshll.u32 @!p1 s22, $0x12  }
0x34: {  	s19 =	sadd.s32 @!p1 s20, s19;
	s20 =	sor.u32 @!p1 $0x400, s21;
	s21 =	simm.s32 @!p1 $0x1000  }
0x35: {  	[tilespmem:s18], [sflag:$0x1] =	stream.strided.gather @!p1 [hbm4b:s19+s20], $0x4000, s21, s20, $0x38;
	[tilespmem:$0x10000] =	vst v63  }
0x36: {  	p1 =	sge.u32 s31, s6  }
.Ltmp2:
0x37: {  	_ = 	snop;
	(pc) =	sbr.rel @p1 .LBB1_5-.Ltmp2, $1  }
0x38: {  	_ =	sdelay $0x3  }
0x39: {  	s18 =	simm.s32 $0x1  }
0x3a: {  	s18 =	simm.s32 @!p0 $0x0  }
0x3b: {  	s18 =	sshll.u32 s18, $0xE  }
0x3c: {  	s19 =	sor.u32 $0x40, s18  }
0x3d: {  	v1 =	vmov s19;
	_ =	sdelay $0x1  }
0x3e: {  	_ =	swait.ge [sflag:s5], $0x4000  }
0x3f: {  	[sflag:s5] =	ssyncset.done $0x0  }
0x40: {  	s20 =	simm.s32 $0x0;
	[sflag:s5] =	ssyncadd.s32 $0xFFFFC000  }
0x41: {  	s18 =	sor.u32 $0x8070, s18;
	v7 =	vld.idx.msk [tilespmem:v1+s20+$0x30 ss:$0x1], $0xffff  }
0x42: {  	v0 =	vmov s18;
	v8 =	vld.idx.msk [tilespmem:v1+s20+$0xFFFFFFC0 ss:$0x1], $0xffff  }
0x43: {  	v6 =	vld.idx.msk [tilespmem:v1+s20+$0xFFFFFFD0 ss:$0x1], $0xffff  }
0x44: {  	v4 =	vld.idx.msk [tilespmem:v1+s20+$0xFFFFFFE0 ss:$0x1], $0xffff  }
0x45: {  	v2 =	vld.idx.msk [tilespmem:v1+s20+$0xFFFFFFF0 ss:$0x1], $0xffff  }
0x46: {  	s31 =	sshll.u32 s9, $0xE;
	v3 =	vld.idx.msk [tilespmem:v1+s20+$0x0 ss:$0x1], $0xffff  }
0x47: {  	s18 =	sand.u32 $0x4000, s31;
	v5 =	vld.idx.msk [tilespmem:v1+s20+$0x10 ss:$0x1], $0xffff;
	[tilespmem:v0+s20+$0x0 ss:$0x1] =	vst.idx.msk $0xffff, v7  }
0x48: {  	s21 =	simm.s32 $0x400;
	s19 =	simm.s32 $0x80;
	s18 =	sor.u32 $0x8000, s18;
	[tilespmem:v0+s20+$0xFFFFFF90 ss:$0x1] =	vst.idx.msk $0xffff, v8;
	v7 =	vld.idx.msk [tilespmem:v1+s20+$0x20 ss:$0x1], $0xffff  }
.LBB1_3:
0x49: {  	p1 =	sne.s32 s21, $0xFE00;
	v8 =	vld.idx.msk [tilespmem:v1+s19+$0x30 ss:$0x1], $0xffff;
	[tilespmem:v0+s20+$0xFFFFFFA0 ss:$0x1] =	vst.idx.msk $0xffff, v6  }
0x4a: {  	v9 =	vld.idx.msk [tilespmem:v1+s19+$0xFFFFFFC0 ss:$0x1], $0xffff;
	[tilespmem:v0+s20+$0xFFFFFFB0 ss:$0x1] =	vst.idx.msk $0xffff, v4  }
0x4b: {  	v6 =	vld.idx.msk [tilespmem:v1+s19+$0xFFFFFFD0 ss:$0x1], $0xffff;
	[tilespmem:v0+s20+$0xFFFFFFC0 ss:$0x1] =	vst.idx.msk $0xffff, v2  }
.Ltmp3:
0x4c: {  	v4 =	vld.idx.msk [tilespmem:v1+s19+$0xFFFFFFE0 ss:$0x1], $0xffff;
	[tilespmem:v0+s20+$0xFFFFFFD0 ss:$0x1] =	vst.idx.msk $0xffff, v3;
	(pc) =	sbr.rel @p1 .LBB1_3-.Ltmp3, $4  }
0x4d: {  	v2 =	vld.idx.msk [tilespmem:v1+s19+$0xFFFFFFF0 ss:$0x1], $0xffff;
	[tilespmem:v0+s20+$0xFFFFFFE0 ss:$0x1] =	vst.idx.msk $0xffff, v5  }
0x4e: {  	v3 =	vld.idx.msk [tilespmem:v1+s19+$0x0 ss:$0x1], $0xffff;
	[tilespmem:v0+s20+$0xFFFFFFF0 ss:$0x1] =	vst.idx.msk $0xffff, v7;
	s20 =	smov.u32 s19  }
0x4f: {  	v5 =	vld.idx.msk [tilespmem:v1+s20+$0x10 ss:$0x1], $0xffff;
	[tilespmem:v0+s20+$0x0 ss:$0x1] =	vst.idx.msk $0xffff, v8  }
0x50: {  	s19 =	sshra.s32 s21, $0x2;
	s21 =	sadd.s32 $0x200, s21;
	[tilespmem:v0+s20+$0xFFFFFF90 ss:$0x1] =	vst.idx.msk $0xffff, v9;
	v7 =	vld.idx.msk [tilespmem:v1+s20+$0x20 ss:$0x1], $0xffff  }
.Ltmp4:
0x51: {  	_ = 	snop;
	(pc) =	sbr.rel .LBB1_4-.Ltmp4, $1  }
0x52: {  	_ =	sdelay $0x3  }
.LBB1_6:
0x53: {  	_ =	sfence.sel $0x180000  }
0x54: {  	s2 =	simm.s32 $0x1;
	[bflag:$0x0] =	sbarrier.arrive $0xFFFF  }
0x55: {  	s31 =	simm.s32 $0x2;
	[sflag:s2] =	ssyncpa.u1 $0x1  }
0x56: {  	[sflag:s31] =	ssyncpa.u1 $0x1  }
0x57: {  	p0 =	sne.s32 s1, $0x0;
	_ =	strace $0x90000047  }
0x58: {  	s0 =	sadd.s32 @!p0 $0x100000, s0;
	[bflag:$0x2] =	sbarrier.arrive $0xFFFF  }
0x59: {  	[sflag:s0] =	ssyncadd.tile.s32 @!p0 $0x1;
	_ =	shalt  }
.Lfunc_end1:
_tile_overlayer_lowered:
.L_overlay_start_2:
0x5a: {  	(tag) =	ssettag $0x2  }
0x5b: {  	s0 =	rddreg [dreg:$0x0];
	s2 =	stileid.u32  }
0x5c: {  	s1 =	rddreg [dreg:$0x1];
	p0 =	sne.s32 s2, $0x0  }
0x5d: {  	s3 =	rddreg [dreg:$0x2];
	[bflag:$0x3] =	sbarrier.arrive $0xFFFF;
	s2 =	simm.s32 @!p0 $0x1C01  }
0x5e: {  	[timem:s3], [sflag:s2] =	dma.local @!p0 [hbm:s0], s1  }
0x5f: {  	s0 =	simm.s32 @!p0 $0x1  }
0x60: {  	_ =	swait.ge @!p0 [sflag:s0], s1  }
0x61: {  	s1 =	ssub.s32 @!p0 $0x0, s1;
	[sflag:s0] =	ssyncset.done @!p0 $0x0  }
0x62: {  	[sflag:s0] =	ssyncadd.s32 @!p0 s1  }
0x63: {  	[bflag:$0x3] =	sbarrier.arrive $0xFFFF  }
0x64: {  	_ =	shalt  }

// kernel: sparse-core-data-format-call.cloned.1.call-start
scs
called_computation_lowered:
.L_overlay_start_0:
0x0: {  	s2 =	sld [smem:$0x3FD9]  }
0x1: {  	s3 =	sld [smem:$0x3FFE];
	_ =	sdelay $0x1  }
0x2: {  	s1 =	srdreg.scid  }
0x3: {  	s0 =	sand.u32 $0x1, s1  }
0x4: {  	s18 =	sshll.u32 s0, $0xA;
	s2 =	sadd.s32 s3, s2  }
0x5: {  	s2 =	sadd.s32 s2, s18  }
0x6: {  	[smem:$0x3FC5] =	sst s2  }
0x7: {  	_ = 	snop  }
0x8: {  	s19 =	sld [smem:$0x3FC8];
	(tm) =	ssettm $0x1  }
0x9: {  	s20 =	sld [smem:$0x3FFB];
	_ =	sdelay $0x3  }
0xa: {  	_ =	strace s20  }
0xb: {  	s2 =	sld [smem:$0x3FFC];
	_ =	sdelay $0x3  }
0xc: {  	_ =	strace s2  }
0xd: {  	s2 =	sld [smem:$0x3FFD];
	_ =	sdelay $0x3  }
0xe: {  	_ =	strace s2  }
0xf: {  	_ =	strace $0x8FFFFFFF  }
0x10: {  	s21 =	sld [smem:$0x3FDB];
	_ =	sdelay $0x1  }
0x11: {  	s4 =	simm.s32 $_scs_section_size  }
0x12: {  	s5 =	simm.s32 $_size__tile_overlayer_lowered;
	s6 =	simm.s32 $_tile_overlayer_lowered  }
0x13: {  	s7 =	simm.s32 $0x1BFF;
	s22 =	sshll.u32 s6, $0x1;
	s4 =	sadd.s32 s4, s21  }
0x14: {  	s23 =	simm.s32 $0x0;
	s5 =	sshll.u32 s5, $0x1;
	s6 =	sadd.s32 s22, s4  }
0x15: {  	[timem:s23], [sflag:s7] =	dma.local [hbm:s6], s5  }
0x16: {  	_ =	swait.ge [sflag:s7], s5  }
0x17: {  	s5 =	ssub.s32 $0x0, s5;
	[sflag:s7] =	ssyncset.done $0x0  }
0x18: {  	[sflag:s7] =	ssyncadd.s32 s5;
	_ =	sdelay $0x1  }
0x19: {  	s24 =	simm.s32 $0x1B8B  }
0x1a: {  	_ =	swait.ge [sflag:s24], $0x1  }
0x1b: {  	[sflag:s24] =	ssyncset.done $0x0  }
0x1c: {  	[sflag:s24] =	ssyncadd.s32 $0xFFFFFFFF  }
0x1d: {  	s5 =	sld [smem:$0x0]  }
0x1e: {  	s6 =	sand.u32 $0xFFFFFFFE, s1  }
0x1f: {  	p0 =	sne.s32 s1, s6  }
0x20: {  	s6 =	sshll.u32 @p0 s6, $0xE  }
0x21: {  	s6 =	sadd.s32 @p0 $0x11B8D, s6;
	s7 =	sshll.u32 @p0 s5, $0x11  }
0x22: {  	s6 =	sor.u32 @p0 s7, s6  }
0x23: {  	[sflag:s6] =	ssyncadd.remote.s32 @p0 $0x1;
	_ =	sdelay $0x1  }
0x24: {  	s6 =	simm.s32 @p0 $0x1B8D  }
0x25: {  	_ =	swait.eq @p0 [sflag:s6], $0x1  }
0x26: {  	[sflag:s6] =	ssyncadd.s32 @p0 $0xFFFFFFFF  }
0x27: {  	s7 =	sshll.u32 @!p0 s1, $0xE  }
0x28: {  	s7 =	sor.u32 @!p0 $0x4000, s7;
	s6 =	simm.s32 @!p0 $0x1B8D  }
0x29: {  	s5 =	sshll.u32 @!p0 s5, $0x11;
	s7 =	sadd.s32 @!p0 $0x11B8D, s7;
	_ =	swait.eq @!p0 [sflag:s6], $0x1  }
0x2a: {  	s5 =	sor.u32 @!p0 s5, s7;
	[sflag:s6] =	ssyncadd.s32 @!p0 $0xFFFFFFFF  }
0x2b: {  	s26 =	simm.s32 $0x1B8E;
	s25 =	sld [smem:$0x3FFE];
	[sflag:s5] =	ssyncadd.remote.s32 @!p0 $0x1  }
0x2c: {  	s27 =	simm.s32 $execute0_lowered;
	[smem:$0x3FD2] =	sst s26  }
0x2d: {  	s6 =	sshll.u32 s27, $0x1;
	_ =	strace $0x80000049;
	[dreg:$0x1] =	wrdreg $0xFFFFFFFF  }
0x2e: {  	s28 =	simm.s32 $_size_execute0_lowered;
	s4 =	sadd.s32 s4, s6;
	[dreg:$0x0] =	wrdreg $0x0  }
0x2f: {  	s6 =	sshll.u32 s28, $0x1;
	[dreg:$0x2] =	wrdreg s4  }
0x30: {  	[dreg:$0x3] =	wrdreg s6  }
0x31: {  	[dreg:$0x4] =	wrdreg $0xC0  }
0x32: {  	_ =	task [dreg:s23], $0x5FFFF  }
0x33: {  	[dreg:$0x1] =	wrdreg $0xFFFFFFFF  }
0x34: {  	[dreg:$0x0] =	wrdreg $0x60  }
0x35: {  	[dreg:$0x2] =	wrdreg s19  }
0x36: {  	[dreg:$0x3] =	wrdreg s25  }
0x37: {  	[dreg:$0x4] =	wrdreg $0x9  }
0x38: {  	_ =	task.clear_ibuf [dreg:s23], $0x5FFFF;
	_ =	strace $0x90000049  }
0x39: {  	s29 =	simm.s32 $0x9;
	_ =	strace $0x8000004B  }
0x3a: {  	_ =	swait.ge [sflag:s29], $0x1  }
0x3b: {  	[sflag:s29] =	ssyncadd.s32 $0xFFFFFFFF  }
0x3c: {  	_ =	strace $0x9000004B  }
0x3d: {  	_ =	sfence  }
0x3e: {  	s30 =	sld [smem:$0x0];
	_ =	sdelay $0x2  }
0x3f: {  	s31 =	sshll.u32 s1, $0xD;
	s1 =	sshrl.u32 s1, $0x2  }
0x40: {  	s4 =	sand.u32 $0x4000, s31;
	s1 =	sadd.s32 s1, s30  }
0x41: {  	s0 =	sor.u32 s4, s0;
	s1 =	sshll.u32 s1, $0x11  }
0x42: {  	s0 =	sor.u32 s1, s0  }
0x43: {  	s0 =	sadd.s32 $0x8F2B, s0  }
0x44: {  	[sflag:s0] =	ssyncadd.remote.s32 $0x1  }
0x45: {  	_ =	sfence.sel $0xFFFF  }
0x46: {  	[dreg:$0x0] =	wrdreg $0xFFFFFFFF;
	(pc) =	sbr.abs _section_cstart, $3  }
0x47: {  	[dreg:$0x1] =	wrdreg $0xFFFFFFFF  }
0x48: {  	_ =	task.clear_ibuf [dreg:s23], $0x2FFFF;
	_ =	strace $0x9FFFFFFF  }
0x49: {  	(tm) =	ssettm $0x7FFFFFFF  }
tec
execute0_lowered:
.L_overlay_start_1:
0x0: {  	(tag) =	ssettag $0x1  }
0x1: {  	s2 =	rddreg [dreg:$0x0]  }
0x2: {  	s1 =	rddreg [dreg:$0x1]  }
0x3: {  	s3 =	srdreg.scid;
	s0 =	rddreg [dreg:$0x2]  }
0x4: {  	_ =	strace $0x8000004A;
	s5 =	simm.s32 $0x1;
	s8 =	simm.s32 $0x2  }
0x5: {  	s14 =	simm.s32 $0x0;
	p0 =	por $0x0, $0x0;
	s15 =	simm.s32 $0x0  }
0x6: {  	s17 =	simm.s32 $0x0;
	s16 =	simm.s32 $0x0;
	s10 =	simm.s32 $0x0  }
0x7: {  	s11 =	simm.s32 $0x0;
	s13 =	stileid.u32;
	s3 =	sand.u32 $0x1, s3  }
.Ltmp0:
0x8: {  	s4 =	sadd.s32 $0x400C00, s1;
	s6 =	ssub.s32 $0x8, s3;
	(pc) =	sbr.rel .LBB1_1-.Ltmp0, $4  }
0x9: {  	s1 =	stileid.u32;
	[sflag:s5] =	ssyncpa.u1 $0x0;
	s7 =	sshrl.u32 s6, $0x1  }
0xa: {  	[sflag:s8] =	ssyncpa.u1 $0x0;
	s8 =	simm.s32 $0x1000;
	s9 =	sadd.s32 s3, s7  }
0xb: {  	s12 =	smov.u32 s3;
	s6 =	ssub.s32 s6, s7;
	s31 =	sshll.u32 s9, $0x4  }
0xc: {  	s6 =	sshll.u32 s6, $0x4;
	s9 =	simm.s32 $0x0;
	s7 =	ssub.s32 $0x82, s31  }
.LBB1_4:
0xd: {  	_ =	sdelay $0x3  }
0xe: {  	[tilespmem:v0+s20+$0xFFFFFFA0 ss:$0x1] =	vst.idx.msk $0xffff, v6  }
0xf: {  	v56 =	vld.idx.msk [tilespmem:v1+s19+$0x30 ss:$0x1], $0xffff;
	[tilespmem:v0+s20+$0xFFFFFFB0 ss:$0x1] =	vst.idx.msk $0xffff, v4  }
0x10: {  	v57 =	vld.idx.msk [tilespmem:v1+s19+$0xFFFFFFC0 ss:$0x1], $0xffff;
	[tilespmem:v0+s20+$0xFFFFFFC0 ss:$0x1] =	vst.idx.msk $0xffff, v2  }
0x11: {  	v58 =	vld.idx.msk [tilespmem:v1+s19+$0xFFFFFFD0 ss:$0x1], $0xffff;
	[tilespmem:v0+s20+$0xFFFFFFD0 ss:$0x1] =	vst.idx.msk $0xffff, v3  }
0x12: {  	v59 =	vld.idx.msk [tilespmem:v1+s19+$0xFFFFFFE0 ss:$0x1], $0xffff;
	[tilespmem:v0+s20+$0xFFFFFFE0 ss:$0x1] =	vst.idx.msk $0xffff, v5  }
0x13: {  	v60 =	vld.idx.msk [tilespmem:v1+s19+$0xFFFFFFF0 ss:$0x1], $0xffff;
	[tilespmem:v0+s20+$0xFFFFFFF0 ss:$0x1] =	vst.idx.msk $0xffff, v7  }
0x14: {  	v61 =	vld.idx.msk [tilespmem:v1+s19+$0x0 ss:$0x1], $0xffff;
	[tilespmem:v0+s19+$0x0 ss:$0x1] =	vst.idx.msk $0xffff, v56  }
0x15: {  	v62 =	vld.idx.msk [tilespmem:v1+s19+$0x10 ss:$0x1], $0xffff;
	[tilespmem:v0+s19+$0xFFFFFF90 ss:$0x1] =	vst.idx.msk $0xffff, v57  }
0x16: {  	s17 =	sshll.u32 s17, $0x7;
	v63 =	vld.idx.msk [tilespmem:v1+s19+$0x20 ss:$0x1], $0xffff;
	s29 =	sand.u32 $0x78, s14;
	[tilespmem:v0+s19+$0xFFFFFFA0 ss:$0x1] =	vst.idx.msk $0xffff, v58  }
0x17: {  	s30 =	sshll.u32 s14, $0x3;
	s16 =	sshll.u32 s16, $0x12;
	s17 =	sand.u32 $0x380, s17;
	[tilespmem:v0+s19+$0xFFFFFFB0 ss:$0x1] =	vst.idx.msk $0xffff, v59  }
0x18: {  	s15 =	sshll.u32 s15, $0x9;
	s20 =	sand.u32 $0xC00, s30;
	s17 =	sor.u32 s29, s17;
	[tilespmem:v0+s19+$0xFFFFFFC0 ss:$0x1] =	vst.idx.msk $0xffff, v60  }
0x19: {  	s31 =	sand.u32 $0x7, s14;
	s16 =	sadd.s32 s4, s16;
	s17 =	sor.u32 s20, s17;
	[tilespmem:v0+s19+$0xFFFFFFD0 ss:$0x1] =	vst.idx.msk $0xffff, v61  }
0x1a: {  	s14 =	sshll.u32 s31, $0x12;
	s15 =	sadd.s32 s15, s16;
	s17 =	sshrl.u32 s17, $0x3;
	[tilespmem:v0+s19+$0xFFFFFFE0 ss:$0x1] =	vst.idx.msk $0xffff, v62  }
0x1b: {  	s14 =	sor.u32 $0x80, s14;
	[tilespmem:v0+s19+$0xFFFFFFF0 ss:$0x1] =	vst.idx.msk $0xffff, v63;
	s15 =	sadd.s32 s17, s15  }
0x1c: {  	[hbm4b:s15+s14] =	stream.strided.scatter [tilespmem:s18], [sflag:$0x2], $0x4000, s8, s14, $0x38;
	[tilespmem:$0x10000] =	vst v63  }
.LBB1_5:
0x1d: {  	s18 =	sadd.s32 $0x80, s10  }
0x1e: {  	s14 =	sadd.s32 $0x80, s11;
	s19 =	smov.u32 s11;
	p2 =	sgt.s32 s18, $0x1FF  }
0x1f: {  	s19 =	smov.u32 @p2 s14  }
0x20: {  	s20 =	smov.u32 s12;
	s14 =	sadd.s32 $0x2, s12;
	p3 =	sgt.s32 s19, $0x1FF  }
0x21: {  	s20 =	smov.u32 @p3 s14  }
0x22: {  	s21 =	smov.u32 s13;
	s14 =	sadd.s32 $0x10, s13;
	p4 =	sgt.s32 s20, $0x7  }
0x23: {  	p1 =	slt.u32 s9, $0x2;
	s21 =	smov.u32 @p4 s14  }
0x24: {  	s9 =	sadd.s32 $0x1, s9;
	s18 =	simm.s32 @p2 $0x0;
	p2 =	sgt.s32 s21, $0xF  }
0x25: {  	s22 =	simm.s32 @!p1 $0x2;
	s21 =	smov.u32 @p2 s1;
	p2 =	sne.s32 s9, s7  }
.Ltmp1:
0x26: {  	s15 =	smov.u32 s11;
	_ =	swait.ge @!p1 [sflag:s22], $0x4000;
	(pc) =	sbr.rel @!p2 .LBB1_6-.Ltmp1, $4  }
0x27: {  	s17 =	smov.u32 s12;
	s16 =	smov.u32 s13;
	[sflag:s22] =	ssyncset.done @!p1 $0x0  }
0x28: {  	p0 =	por !p0, !p0;
	s19 =	simm.s32 @p3 $0x0;
	[sflag:s22] =	ssyncadd.s32 @!p1 $0xFFFFC000  }
0x29: {  	s11 =	smov.u32 s19;
	s20 =	smov.u32 @p4 s3;
	s14 =	smov.u32 s10  }
0x2a: {  	s10 =	smov.u32 s18;
	s12 =	smov.u32 s20;
	s13 =	smov.u32 s21  }
.LBB1_1:
0x2b: {  	p1 =	sge.u32 s9, s6;
	s31 =	sadd.s32 $0xFFFFFFFF, s9  }
0x2c: {  	s18 =	sxor.u32 @!p1 $0xFFFFFFFF, s9;
	s19 =	sand.u32 @!p1 $0x78, s10;
	s20 =	sshll.u32 @!p1 s11, $0x9  }
0x2d: {  	s21 =	sshll.u32 @!p1 s10, $0x3;
	s22 =	sshll.u32 @!p1 s11, $0x7;
	s18 =	sshll.u32 @!p1 s18, $0xE  }
0x2e: {  	s20 =	sand.u32 @!p1 $0x3F000, s20;
	s21 =	sand.u32 @!p1 $0x3FC00, s21;
	s18 =	sand.u32 @!p1 $0x4000, s18  }
0x2f: {  	s20 =	sadd.s32 @!p1 s20, s21;
	s21 =	sand.u32 @!p1 $0x200, s22;
	s22 =	sand.u32 @!p1 $0x180, s22  }
0x30: {  	s20 =	sor.u32 @!p1 s21, s20;
	s19 =	sor.u32 @!p1 s19, s22;
	s21 =	sshll.u32 @!p1 s13, $0x12  }
0x31: {  	s22 =	sshll.u32 @!p1 s12, $0xF;
	s20 =	sshrl.u32 @!p1 s20, $0x3;
	s21 =	sadd.s32 @!p1 s2, s21  }
0x32: {  	s19 =	sshrl.u32 @!p1 s19, $0x3;
	s21 =	sadd.s32 @!p1 s22, s21;
	s22 =	sand.u32 @!p1 $0x7, s10  }
0x33: {  	s20 =	sand.u32 @!p1 $0x7FC0, s20;
	s19 =	sadd.s32 @!p1 s19, s21;
	s21 =	sshll.u32 @!p1 s22, $0x12  }
0x34: {  	s19 =	sadd.s32 @!p1 s20, s19;
	s20 =	sor.u32 @!p1 $0x400, s21;
	s21 =	simm.s32 @!p1 $0x1000  }
0x35: {  	[tilespmem:s18], [sflag:$0x1] =	stream.strided.gather @!p1 [hbm4b:s19+s20], $0x4000, s21, s20, $0x38;
	[tilespmem:$0x10000] =	vst v63  }
0x36: {  	p1 =	sge.u32 s31, s6  }
.Ltmp2:
0x37: {  	_ = 	snop;
	(pc) =	sbr.rel @p1 .LBB1_5-.Ltmp2, $1  }
0x38: {  	_ =	sdelay $0x3  }
0x39: {  	s18 =	simm.s32 $0x1  }
0x3a: {  	s18 =	simm.s32 @!p0 $0x0  }
0x3b: {  	s18 =	sshll.u32 s18, $0xE  }
0x3c: {  	s19 =	sor.u32 $0x40, s18  }
0x3d: {  	v1 =	vmov s19;
	_ =	sdelay $0x1  }
0x3e: {  	_ =	swait.ge [sflag:s5], $0x4000  }
0x3f: {  	[sflag:s5] =	ssyncset.done $0x0  }
0x40: {  	s20 =	simm.s32 $0x0;
	[sflag:s5] =	ssyncadd.s32 $0xFFFFC000  }
0x41: {  	s18 =	sor.u32 $0x8070, s18;
	v7 =	vld.idx.msk [tilespmem:v1+s20+$0x30 ss:$0x1], $0xffff  }
0x42: {  	v0 =	vmov s18;
	v8 =	vld.idx.msk [tilespmem:v1+s20+$0xFFFFFFC0 ss:$0x1], $0xffff  }
0x43: {  	v6 =	vld.idx.msk [tilespmem:v1+s20+$0xFFFFFFD0 ss:$0x1], $0xffff  }
0x44: {  	v4 =	vld.idx.msk [tilespmem:v1+s20+$0xFFFFFFE0 ss:$0x1], $0xffff  }
0x45: {  	v2 =	vld.idx.msk [tilespmem:v1+s20+$0xFFFFFFF0 ss:$0x1], $0xffff  }
0x46: {  	s31 =	sshll.u32 s9, $0xE;
	v3 =	vld.idx.msk [tilespmem:v1+s20+$0x0 ss:$0x1], $0xffff  }
0x47: {  	s18 =	sand.u32 $0x4000, s31;
	v5 =	vld.idx.msk [tilespmem:v1+s20+$0x10 ss:$0x1], $0xffff;
	[tilespmem:v0+s20+$0x0 ss:$0x1] =	vst.idx.msk $0xffff, v7  }
0x48: {  	s21 =	simm.s32 $0x400;
	s19 =	simm.s32 $0x80;
	s18 =	sor.u32 $0x8000, s18;
	[tilespmem:v0+s20+$0xFFFFFF90 ss:$0x1] =	vst.idx.msk $0xffff, v8;
	v7 =	vld.idx.msk [tilespmem:v1+s20+$0x20 ss:$0x1], $0xffff  }
.LBB1_3:
0x49: {  	p1 =	sne.s32 s21, $0xFE00;
	v8 =	vld.idx.msk [tilespmem:v1+s19+$0x30 ss:$0x1], $0xffff;
	[tilespmem:v0+s20+$0xFFFFFFA0 ss:$0x1] =	vst.idx.msk $0xffff, v6  }
0x4a: {  	v9 =	vld.idx.msk [tilespmem:v1+s19+$0xFFFFFFC0 ss:$0x1], $0xffff;
	[tilespmem:v0+s20+$0xFFFFFFB0 ss:$0x1] =	vst.idx.msk $0xffff, v4  }
0x4b: {  	v6 =	vld.idx.msk [tilespmem:v1+s19+$0xFFFFFFD0 ss:$0x1], $0xffff;
	[tilespmem:v0+s20+$0xFFFFFFC0 ss:$0x1] =	vst.idx.msk $0xffff, v2  }
.Ltmp3:
0x4c: {  	v4 =	vld.idx.msk [tilespmem:v1+s19+$0xFFFFFFE0 ss:$0x1], $0xffff;
	[tilespmem:v0+s20+$0xFFFFFFD0 ss:$0x1] =	vst.idx.msk $0xffff, v3;
	(pc) =	sbr.rel @p1 .LBB1_3-.Ltmp3, $4  }
0x4d: {  	v2 =	vld.idx.msk [tilespmem:v1+s19+$0xFFFFFFF0 ss:$0x1], $0xffff;
	[tilespmem:v0+s20+$0xFFFFFFE0 ss:$0x1] =	vst.idx.msk $0xffff, v5  }
0x4e: {  	v3 =	vld.idx.msk [tilespmem:v1+s19+$0x0 ss:$0x1], $0xffff;
	[tilespmem:v0+s20+$0xFFFFFFF0 ss:$0x1] =	vst.idx.msk $0xffff, v7;
	s20 =	smov.u32 s19  }
0x4f: {  	v5 =	vld.idx.msk [tilespmem:v1+s20+$0x10 ss:$0x1], $0xffff;
	[tilespmem:v0+s20+$0x0 ss:$0x1] =	vst.idx.msk $0xffff, v8  }
0x50: {  	s19 =	sshra.s32 s21, $0x2;
	s21 =	sadd.s32 $0x200, s21;
	[tilespmem:v0+s20+$0xFFFFFF90 ss:$0x1] =	vst.idx.msk $0xffff, v9;
	v7 =	vld.idx.msk [tilespmem:v1+s20+$0x20 ss:$0x1], $0xffff  }
.Ltmp4:
0x51: {  	_ = 	snop;
	(pc) =	sbr.rel .LBB1_4-.Ltmp4, $1  }
0x52: {  	_ =	sdelay $0x3  }
.LBB1_6:
0x53: {  	_ =	sfence.sel $0x180000  }
0x54: {  	s2 =	simm.s32 $0x1;
	[bflag:$0x0] =	sbarrier.arrive $0xFFFF  }
0x55: {  	s31 =	simm.s32 $0x2;
	[sflag:s2] =	ssyncpa.u1 $0x1  }
0x56: {  	[sflag:s31] =	ssyncpa.u1 $0x1  }
0x57: {  	p0 =	sne.s32 s1, $0x0;
	_ =	strace $0x9000004A  }
0x58: {  	s0 =	sadd.s32 @!p0 $0x100000, s0;
	[bflag:$0x2] =	sbarrier.arrive $0xFFFF  }
0x59: {  	[sflag:s0] =	ssyncadd.tile.s32 @!p0 $0x1;
	_ =	shalt  }
.Lfunc_end1:
_tile_overlayer_lowered:
.L_overlay_start_2:
0x5a: {  	(tag) =	ssettag $0x2  }
0x5b: {  	s0 =	rddreg [dreg:$0x0];
	s2 =	stileid.u32  }
0x5c: {  	s1 =	rddreg [dreg:$0x1];
	p0 =	sne.s32 s2, $0x0  }
0x5d: {  	s3 =	rddreg [dreg:$0x2];
	[bflag:$0x3] =	sbarrier.arrive $0xFFFF;
	s2 =	simm.s32 @!p0 $0x1C01  }
0x5e: {  	[timem:s3], [sflag:s2] =	dma.local @!p0 [hbm:s0], s1  }
0x5f: {  	s0 =	simm.s32 @!p0 $0x1  }
0x60: {  	_ =	swait.ge @!p0 [sflag:s0], s1  }
0x61: {  	s1 =	ssub.s32 @!p0 $0x0, s1;
	[sflag:s0] =	ssyncset.done @!p0 $0x0  }
0x62: {  	[sflag:s0] =	ssyncadd.s32 @!p0 s1  }
0x63: {  	[bflag:$0x3] =	sbarrier.arrive $0xFFFF  }
0x64: {  	_ =	shalt  }

</sc_bundles>
